<compile_context>
chip_gen: v7x
topology: tpu7x:2x2x1
jax: 0.10.2.dev20260603
libtpu: 0.0.44.dev20260713+nightly
codegen_flags: <defaults>
</compile_context>

<pallas_src>
import functools

import jax
import jax.numpy as jnp
from jax.experimental import pallas as pl
from jax.experimental.pallas import tpu as pltpu
from jax.experimental.pallas import tpu_sc as plsc

_NUM_OPS = 64

_mesh = plsc.ScalarSubcoreMesh(axis_name="c", num_cores=1)


@functools.partial(
    pl.kernel,
    out_type=(
        jax.ShapeDtypeStruct((1,), jnp.float32),
        jax.ShapeDtypeStruct((1,), jnp.int32),
    ),
    mesh=_mesh,
    scratch_types=[
        pltpu.SMEM((_NUM_OPS,), jnp.float32),
        pltpu.SMEM((1,), jnp.float32),
        pltpu.SMEM((1,), jnp.int32),
        pltpu.SemaphoreType.DMA,
        pltpu.SemaphoreType.DMA,
        pltpu.SemaphoreType.DMA,
    ],
)
def _router(op_hbm, w_hbm, idx_hbm, x_s, w_s, i_s, sem_x, sem_w, sem_i):
    cp_x = pltpu.async_copy(op_hbm, x_s, sem_x)
    w_s[0] = jnp.float32(1.0)
    cp_w = pltpu.async_copy(w_s, w_hbm, sem_w)
    cp_x.wait()
    _C = 4
    _SEG = _NUM_OPS // _C
    ms, gs = [], []
    for c in range(_C):
        m = x_s[c * _SEG]
        g = jnp.int32(c * _SEG)
        for l in range(c * _SEG + 1, (c + 1) * _SEG):
            v_l = x_s[l]
            take = v_l > m
            m = jnp.where(take, v_l, m)
            g = jnp.where(take, jnp.int32(l), g)
        ms.append(m)
        gs.append(g)
    m, gidx = ms[0], gs[0]
    for c in range(1, _C):
        take = ms[c] > m
        m = jnp.where(take, ms[c], m)
        gidx = jnp.where(take, gs[c], gidx)
    i_s[0] = gidx
    cp_i = pltpu.async_copy(i_s, idx_hbm, sem_i)
    cp_w.wait()
    cp_i.wait()


def kernel(op_enc):
    return _router(op_enc)

# --- scband reference (transcript-rebuilt; emitter-appended) ---
"""Pipeline reference for scband-mo-erouter-62380105007238 (READ-ONLY COPY).

The authoritative reference and input builder live on the scoring server;
editing this copy changes nothing except your own understanding.
"""

import jax, jax.numpy as jnp
import numpy as np

NUM_OPS = 64
TOP_K = 1

def setup_inputs(seed: int = 0) -> dict:
    key = jax.random.key(seed)
    op_enc = jax.random.normal(key, (NUM_OPS,), dtype=jnp.float32)
    return {"op_enc": op_enc}

def reference(op_enc):
    # Faithful translation of MoERouter.forward
    scores = op_enc
    if TOP_K < NUM_OPS:
        topk_vals, topk_idx = jax.lax.top_k(scores, TOP_K)
        weights = jax.nn.softmax(topk_vals * 100.0, axis=0)
        indices = topk_idx
    else:
        weights = jax.nn.softmax(scores * 100.0, axis=0)
        indices = jnp.arange(NUM_OPS)
    return weights, indices

if __name__ == "__main__":
    import jax
    _d = setup_inputs()
    print(jax.jit(kernel)(*tuple(_d.values())))

</pallas_src>

<mosaic_0001>
#map = affine_map<(d0) -> (0)>
module attributes {stable_mosaic.version = 14 : i64} {
  func.func @_router(%arg0: i32, %arg1: memref<64xf32, #tpu.memory_space<hbm>>, %arg2: memref<1xf32, #tpu.memory_space<hbm>>, %arg3: memref<1xi32, #tpu.memory_space<hbm>>, %arg4: memref<64xf32, #tpu.memory_space<smem>>, %arg5: memref<1xf32, #tpu.memory_space<smem>>, %arg6: memref<1xi32, #tpu.memory_space<smem>>, %arg7: memref<!tpu.dma_semaphore, #tpu.memory_space<semaphore_mem>>, %arg8: memref<!tpu.dma_semaphore, #tpu.memory_space<semaphore_mem>>, %arg9: memref<!tpu.dma_semaphore, #tpu.memory_space<semaphore_mem>>) attributes {dimension_semantics = [#tpu.dimension_semantics<core_parallel>], iteration_bounds = array<i64: 1>, scalar_prefetch = 0 : i64, scratch_operands = 6 : i64, tpu.core_type = #tpu.core_type<sc_scalar_subcore>, window_params = [{transform_indices = #map}, {transform_indices = #map}, {transform_indices = #map}]} {
    tpu.enqueue_dma source(%arg1 : memref<64xf32, #tpu.memory_space<hbm>>) target(%arg4 : memref<64xf32, #tpu.memory_space<smem>>) target_semaphore(%arg7 : memref<!tpu.dma_semaphore, #tpu.memory_space<semaphore_mem>>)
    %swap3A = arith.constant 1.000000e+00 : f32
    %swap3A_0 = arith.constant 0 : i32
    %swap3A_1 = arith.index_cast %swap3A_0 : i32 to index
    %swap3A_2 = memref.load %arg5[%swap3A_1] : memref<1xf32, #tpu.memory_space<smem>>
    memref.store %swap3A, %arg5[%swap3A_1] : memref<1xf32, #tpu.memory_space<smem>>
    tpu.enqueue_dma source(%arg5 : memref<1xf32, #tpu.memory_space<smem>>) target(%arg2 : memref<1xf32, #tpu.memory_space<hbm>>) target_semaphore(%arg8 : memref<!tpu.dma_semaphore, #tpu.memory_space<semaphore_mem>>)
    tpu.wait_dma2 semaphore(%arg7 : memref<!tpu.dma_semaphore, #tpu.memory_space<semaphore_mem>>) src(%arg1 : memref<64xf32, #tpu.memory_space<hbm>>) dst(%arg4 : memref<64xf32, #tpu.memory_space<smem>>)
    %get3A = arith.constant 0 : i32
    %get3A_3 = arith.index_cast %get3A : i32 to index
    %get3A_4 = memref.load %arg4[%get3A_3] : memref<64xf32, #tpu.memory_space<smem>>
    %get3A_5 = arith.constant 1 : i32
    %get3A_6 = arith.index_cast %get3A_5 : i32 to index
    %get3A_7 = memref.load %arg4[%get3A_6] : memref<64xf32, #tpu.memory_space<smem>>
    %gt3A = arith.cmpf ogt, %get3A_7, %get3A_4 : f32
    %select_n3A = arith.select %gt3A, %get3A_7, %get3A_4 : f32
    %jit3A = arith.constant 1 : i32
    %jit3A_8 = arith.constant 0 : i32
    %select_n3A_9 = arith.select %gt3A, %jit3A, %jit3A_8 : i32
    %get3A_10 = arith.constant 2 : i32
    %get3A_11 = arith.index_cast %get3A_10 : i32 to index
    %get3A_12 = memref.load %arg4[%get3A_11] : memref<64xf32, #tpu.memory_space<smem>>
    %gt3A_13 = arith.cmpf ogt, %get3A_12, %select_n3A : f32
    %select_n3A_14 = arith.select %gt3A_13, %get3A_12, %select_n3A : f32
    %jit3A_15 = arith.constant 2 : i32
    %select_n3A_16 = arith.select %gt3A_13, %jit3A_15, %select_n3A_9 : i32
    %get3A_17 = arith.constant 3 : i32
    %get3A_18 = arith.index_cast %get3A_17 : i32 to index
    %get3A_19 = memref.load %arg4[%get3A_18] : memref<64xf32, #tpu.memory_space<smem>>
    %gt3A_20 = arith.cmpf ogt, %get3A_19, %select_n3A_14 : f32
    %select_n3A_21 = arith.select %gt3A_20, %get3A_19, %select_n3A_14 : f32
    %jit3A_22 = arith.constant 3 : i32
    %select_n3A_23 = arith.select %gt3A_20, %jit3A_22, %select_n3A_16 : i32
    %get3A_24 = arith.constant 4 : i32
    %get3A_25 = arith.index_cast %get3A_24 : i32 to index
    %get3A_26 = memref.load %arg4[%get3A_25] : memref<64xf32, #tpu.memory_space<smem>>
    %gt3A_27 = arith.cmpf ogt, %get3A_26, %select_n3A_21 : f32
    %select_n3A_28 = arith.select %gt3A_27, %get3A_26, %select_n3A_21 : f32
    %jit3A_29 = arith.constant 4 : i32
    %select_n3A_30 = arith.select %gt3A_27, %jit3A_29, %select_n3A_23 : i32
    %get3A_31 = arith.constant 5 : i32
    %get3A_32 = arith.index_cast %get3A_31 : i32 to index
    %get3A_33 = memref.load %arg4[%get3A_32] : memref<64xf32, #tpu.memory_space<smem>>
    %gt3A_34 = arith.cmpf ogt, %get3A_33, %select_n3A_28 : f32
    %select_n3A_35 = arith.select %gt3A_34, %get3A_33, %select_n3A_28 : f32
    %jit3A_36 = arith.constant 5 : i32
    %select_n3A_37 = arith.select %gt3A_34, %jit3A_36, %select_n3A_30 : i32
    %get3A_38 = arith.constant 6 : i32
    %get3A_39 = arith.index_cast %get3A_38 : i32 to index
    %get3A_40 = memref.load %arg4[%get3A_39] : memref<64xf32, #tpu.memory_space<smem>>
    %gt3A_41 = arith.cmpf ogt, %get3A_40, %select_n3A_35 : f32
    %select_n3A_42 = arith.select %gt3A_41, %get3A_40, %select_n3A_35 : f32
    %jit3A_43 = arith.constant 6 : i32
    %select_n3A_44 = arith.select %gt3A_41, %jit3A_43, %select_n3A_37 : i32
    %get3A_45 = arith.constant 7 : i32
    %get3A_46 = arith.index_cast %get3A_45 : i32 to index
    %get3A_47 = memref.load %arg4[%get3A_46] : memref<64xf32, #tpu.memory_space<smem>>
    %gt3A_48 = arith.cmpf ogt, %get3A_47, %select_n3A_42 : f32
    %select_n3A_49 = arith.select %gt3A_48, %get3A_47, %select_n3A_42 : f32
    %jit3A_50 = arith.constant 7 : i32
    %select_n3A_51 = arith.select %gt3A_48, %jit3A_50, %select_n3A_44 : i32
    %get3A_52 = arith.constant 8 : i32
    %get3A_53 = arith.index_cast %get3A_52 : i32 to index
    %get3A_54 = memref.load %arg4[%get3A_53] : memref<64xf32, #tpu.memory_space<smem>>
    %gt3A_55 = arith.cmpf ogt, %get3A_54, %select_n3A_49 : f32
    %select_n3A_56 = arith.select %gt3A_55, %get3A_54, %select_n3A_49 : f32
    %jit3A_57 = arith.constant 8 : i32
    %select_n3A_58 = arith.select %gt3A_55, %jit3A_57, %select_n3A_51 : i32
    %get3A_59 = arith.constant 9 : i32
    %get3A_60 = arith.index_cast %get3A_59 : i32 to index
    %get3A_61 = memref.load %arg4[%get3A_60] : memref<64xf32, #tpu.memory_space<smem>>
    %gt3A_62 = arith.cmpf ogt, %get3A_61, %select_n3A_56 : f32
    %select_n3A_63 = arith.select %gt3A_62, %get3A_61, %select_n3A_56 : f32
    %jit3A_64 = arith.constant 9 : i32
    %select_n3A_65 = arith.select %gt3A_62, %jit3A_64, %select_n3A_58 : i32
    %get3A_66 = arith.constant 10 : i32
    %get3A_67 = arith.index_cast %get3A_66 : i32 to index
    %get3A_68 = memref.load %arg4[%get3A_67] : memref<64xf32, #tpu.memory_space<smem>>
    %gt3A_69 = arith.cmpf ogt, %get3A_68, %select_n3A_63 : f32
    %select_n3A_70 = arith.select %gt3A_69, %get3A_68, %select_n3A_63 : f32
    %jit3A_71 = arith.constant 10 : i32
    %select_n3A_72 = arith.select %gt3A_69, %jit3A_71, %select_n3A_65 : i32
    %get3A_73 = arith.constant 11 : i32
    %get3A_74 = arith.index_cast %get3A_73 : i32 to index
    %get3A_75 = memref.load %arg4[%get3A_74] : memref<64xf32, #tpu.memory_space<smem>>
    %gt3A_76 = arith.cmpf ogt, %get3A_75, %select_n3A_70 : f32
    %select_n3A_77 = arith.select %gt3A_76, %get3A_75, %select_n3A_70 : f32
    %jit3A_78 = arith.constant 11 : i32
    %select_n3A_79 = arith.select %gt3A_76, %jit3A_78, %select_n3A_72 : i32
    %get3A_80 = arith.constant 12 : i32
    %get3A_81 = arith.index_cast %get3A_80 : i32 to index
    %get3A_82 = memref.load %arg4[%get3A_81] : memref<64xf32, #tpu.memory_space<smem>>
    %gt3A_83 = arith.cmpf ogt, %get3A_82, %select_n3A_77 : f32
    %select_n3A_84 = arith.select %gt3A_83, %get3A_82, %select_n3A_77 : f32
    %jit3A_85 = arith.constant 12 : i32
    %select_n3A_86 = arith.select %gt3A_83, %jit3A_85, %select_n3A_79 : i32
    %get3A_87 = arith.constant 13 : i32
    %get3A_88 = arith.index_cast %get3A_87 : i32 to index
    %get3A_89 = memref.load %arg4[%get3A_88] : memref<64xf32, #tpu.memory_space<smem>>
    %gt3A_90 = arith.cmpf ogt, %get3A_89, %select_n3A_84 : f32
    %select_n3A_91 = arith.select %gt3A_90, %get3A_89, %select_n3A_84 : f32
    %jit3A_92 = arith.constant 13 : i32
    %select_n3A_93 = arith.select %gt3A_90, %jit3A_92, %select_n3A_86 : i32
    %get3A_94 = arith.constant 14 : i32
    %get3A_95 = arith.index_cast %get3A_94 : i32 to index
    %get3A_96 = memref.load %arg4[%get3A_95] : memref<64xf32, #tpu.memory_space<smem>>
    %gt3A_97 = arith.cmpf ogt, %get3A_96, %select_n3A_91 : f32
    %select_n3A_98 = arith.select %gt3A_97, %get3A_96, %select_n3A_91 : f32
    %jit3A_99 = arith.constant 14 : i32
    %select_n3A_100 = arith.select %gt3A_97, %jit3A_99, %select_n3A_93 : i32
    %get3A_101 = arith.constant 15 : i32
    %get3A_102 = arith.index_cast %get3A_101 : i32 to index
    %get3A_103 = memref.load %arg4[%get3A_102] : memref<64xf32, #tpu.memory_space<smem>>
    %gt3A_104 = arith.cmpf ogt, %get3A_103, %select_n3A_98 : f32
    %select_n3A_105 = arith.select %gt3A_104, %get3A_103, %select_n3A_98 : f32
    %jit3A_106 = arith.constant 15 : i32
    %select_n3A_107 = arith.select %gt3A_104, %jit3A_106, %select_n3A_100 : i32
    %get3A_108 = arith.constant 16 : i32
    %get3A_109 = arith.index_cast %get3A_108 : i32 to index
    %get3A_110 = memref.load %arg4[%get3A_109] : memref<64xf32, #tpu.memory_space<smem>>
    %get3A_111 = arith.constant 17 : i32
    %get3A_112 = arith.index_cast %get3A_111 : i32 to index
    %get3A_113 = memref.load %arg4[%get3A_112] : memref<64xf32, #tpu.memory_space<smem>>
    %gt3A_114 = arith.cmpf ogt, %get3A_113, %get3A_110 : f32
    %select_n3A_115 = arith.select %gt3A_114, %get3A_113, %get3A_110 : f32
    %jit3A_116 = arith.constant 17 : i32
    %jit3A_117 = arith.constant 16 : i32
    %select_n3A_118 = arith.select %gt3A_114, %jit3A_116, %jit3A_117 : i32
    %get3A_119 = arith.constant 18 : i32
    %get3A_120 = arith.index_cast %get3A_119 : i32 to index
    %get3A_121 = memref.load %arg4[%get3A_120] : memref<64xf32, #tpu.memory_space<smem>>
    %gt3A_122 = arith.cmpf ogt, %get3A_121, %select_n3A_115 : f32
    %select_n3A_123 = arith.select %gt3A_122, %get3A_121, %select_n3A_115 : f32
    %jit3A_124 = arith.constant 18 : i32
    %select_n3A_125 = arith.select %gt3A_122, %jit3A_124, %select_n3A_118 : i32
    %get3A_126 = arith.constant 19 : i32
    %get3A_127 = arith.index_cast %get3A_126 : i32 to index
    %get3A_128 = memref.load %arg4[%get3A_127] : memref<64xf32, #tpu.memory_space<smem>>
    %gt3A_129 = arith.cmpf ogt, %get3A_128, %select_n3A_123 : f32
    %select_n3A_130 = arith.select %gt3A_129, %get3A_128, %select_n3A_123 : f32
    %jit3A_131 = arith.constant 19 : i32
    %select_n3A_132 = arith.select %gt3A_129, %jit3A_131, %select_n3A_125 : i32
    %get3A_133 = arith.constant 20 : i32
    %get3A_134 = arith.index_cast %get3A_133 : i32 to index
    %get3A_135 = memref.load %arg4[%get3A_134] : memref<64xf32, #tpu.memory_space<smem>>
    %gt3A_136 = arith.cmpf ogt, %get3A_135, %select_n3A_130 : f32
    %select_n3A_137 = arith.select %gt3A_136, %get3A_135, %select_n3A_130 : f32
    %jit3A_138 = arith.constant 20 : i32
    %select_n3A_139 = arith.select %gt3A_136, %jit3A_138, %select_n3A_132 : i32
    %get3A_140 = arith.constant 21 : i32
    %get3A_141 = arith.index_cast %get3A_140 : i32 to index
    %get3A_142 = memref.load %arg4[%get3A_141] : memref<64xf32, #tpu.memory_space<smem>>
    %gt3A_143 = arith.cmpf ogt, %get3A_142, %select_n3A_137 : f32
    %select_n3A_144 = arith.select %gt3A_143, %get3A_142, %select_n3A_137 : f32
    %jit3A_145 = arith.constant 21 : i32
    %select_n3A_146 = arith.select %gt3A_143, %jit3A_145, %select_n3A_139 : i32
    %get3A_147 = arith.constant 22 : i32
    %get3A_148 = arith.index_cast %get3A_147 : i32 to index
    %get3A_149 = memref.load %arg4[%get3A_148] : memref<64xf32, #tpu.memory_space<smem>>
    %gt3A_150 = arith.cmpf ogt, %get3A_149, %select_n3A_144 : f32
    %select_n3A_151 = arith.select %gt3A_150, %get3A_149, %select_n3A_144 : f32
    %jit3A_152 = arith.constant 22 : i32
    %select_n3A_153 = arith.select %gt3A_150, %jit3A_152, %select_n3A_146 : i32
    %get3A_154 = arith.constant 23 : i32
    %get3A_155 = arith.index_cast %get3A_154 : i32 to index
    %get3A_156 = memref.load %arg4[%get3A_155] : memref<64xf32, #tpu.memory_space<smem>>
    %gt3A_157 = arith.cmpf ogt, %get3A_156, %select_n3A_151 : f32
    %select_n3A_158 = arith.select %gt3A_157, %get3A_156, %select_n3A_151 : f32
    %jit3A_159 = arith.constant 23 : i32
    %select_n3A_160 = arith.select %gt3A_157, %jit3A_159, %select_n3A_153 : i32
    %get3A_161 = arith.constant 24 : i32
    %get3A_162 = arith.index_cast %get3A_161 : i32 to index
    %get3A_163 = memref.load %arg4[%get3A_162] : memref<64xf32, #tpu.memory_space<smem>>
    %gt3A_164 = arith.cmpf ogt, %get3A_163, %select_n3A_158 : f32
    %select_n3A_165 = arith.select %gt3A_164, %get3A_163, %select_n3A_158 : f32
    %jit3A_166 = arith.constant 24 : i32
    %select_n3A_167 = arith.select %gt3A_164, %jit3A_166, %select_n3A_160 : i32
    %get3A_168 = arith.constant 25 : i32
    %get3A_169 = arith.index_cast %get3A_168 : i32 to index
    %get3A_170 = memref.load %arg4[%get3A_169] : memref<64xf32, #tpu.memory_space<smem>>
    %gt3A_171 = arith.cmpf ogt, %get3A_170, %select_n3A_165 : f32
    %select_n3A_172 = arith.select %gt3A_171, %get3A_170, %select_n3A_165 : f32
    %jit3A_173 = arith.constant 25 : i32
    %select_n3A_174 = arith.select %gt3A_171, %jit3A_173, %select_n3A_167 : i32
    %get3A_175 = arith.constant 26 : i32
    %get3A_176 = arith.index_cast %get3A_175 : i32 to index
    %get3A_177 = memref.load %arg4[%get3A_176] : memref<64xf32, #tpu.memory_space<smem>>
    %gt3A_178 = arith.cmpf ogt, %get3A_177, %select_n3A_172 : f32
    %select_n3A_179 = arith.select %gt3A_178, %get3A_177, %select_n3A_172 : f32
    %jit3A_180 = arith.constant 26 : i32
    %select_n3A_181 = arith.select %gt3A_178, %jit3A_180, %select_n3A_174 : i32
    %get3A_182 = arith.constant 27 : i32
    %get3A_183 = arith.index_cast %get3A_182 : i32 to index
    %get3A_184 = memref.load %arg4[%get3A_183] : memref<64xf32, #tpu.memory_space<smem>>
    %gt3A_185 = arith.cmpf ogt, %get3A_184, %select_n3A_179 : f32
    %select_n3A_186 = arith.select %gt3A_185, %get3A_184, %select_n3A_179 : f32
    %jit3A_187 = arith.constant 27 : i32
    %select_n3A_188 = arith.select %gt3A_185, %jit3A_187, %select_n3A_181 : i32
    %get3A_189 = arith.constant 28 : i32
    %get3A_190 = arith.index_cast %get3A_189 : i32 to index
    %get3A_191 = memref.load %arg4[%get3A_190] : memref<64xf32, #tpu.memory_space<smem>>
    %gt3A_192 = arith.cmpf ogt, %get3A_191, %select_n3A_186 : f32
    %select_n3A_193 = arith.select %gt3A_192, %get3A_191, %select_n3A_186 : f32
    %jit3A_194 = arith.constant 28 : i32
    %select_n3A_195 = arith.select %gt3A_192, %jit3A_194, %select_n3A_188 : i32
    %get3A_196 = arith.constant 29 : i32
    %get3A_197 = arith.index_cast %get3A_196 : i32 to index
    %get3A_198 = memref.load %arg4[%get3A_197] : memref<64xf32, #tpu.memory_space<smem>>
    %gt3A_199 = arith.cmpf ogt, %get3A_198, %select_n3A_193 : f32
    %select_n3A_200 = arith.select %gt3A_199, %get3A_198, %select_n3A_193 : f32
    %jit3A_201 = arith.constant 29 : i32
    %select_n3A_202 = arith.select %gt3A_199, %jit3A_201, %select_n3A_195 : i32
    %get3A_203 = arith.constant 30 : i32
    %get3A_204 = arith.index_cast %get3A_203 : i32 to index
    %get3A_205 = memref.load %arg4[%get3A_204] : memref<64xf32, #tpu.memory_space<smem>>
    %gt3A_206 = arith.cmpf ogt, %get3A_205, %select_n3A_200 : f32
    %select_n3A_207 = arith.select %gt3A_206, %get3A_205, %select_n3A_200 : f32
    %jit3A_208 = arith.constant 30 : i32
    %select_n3A_209 = arith.select %gt3A_206, %jit3A_208, %select_n3A_202 : i32
    %get3A_210 = arith.constant 31 : i32
    %get3A_211 = arith.index_cast %get3A_210 : i32 to index
    %get3A_212 = memref.load %arg4[%get3A_211] : memref<64xf32, #tpu.memory_space<smem>>
    %gt3A_213 = arith.cmpf ogt, %get3A_212, %select_n3A_207 : f32
    %select_n3A_214 = arith.select %gt3A_213, %get3A_212, %select_n3A_207 : f32
    %jit3A_215 = arith.constant 31 : i32
    %select_n3A_216 = arith.select %gt3A_213, %jit3A_215, %select_n3A_209 : i32
    %get3A_217 = arith.constant 32 : i32
    %get3A_218 = arith.index_cast %get3A_217 : i32 to index
    %get3A_219 = memref.load %arg4[%get3A_218] : memref<64xf32, #tpu.memory_space<smem>>
    %get3A_220 = arith.constant 33 : i32
    %get3A_221 = arith.index_cast %get3A_220 : i32 to index
    %get3A_222 = memref.load %arg4[%get3A_221] : memref<64xf32, #tpu.memory_space<smem>>
    %gt3A_223 = arith.cmpf ogt, %get3A_222, %get3A_219 : f32
    %select_n3A_224 = arith.select %gt3A_223, %get3A_222, %get3A_219 : f32
    %jit3A_225 = arith.constant 33 : i32
    %jit3A_226 = arith.constant 32 : i32
    %select_n3A_227 = arith.select %gt3A_223, %jit3A_225, %jit3A_226 : i32
    %get3A_228 = arith.constant 34 : i32
    %get3A_229 = arith.index_cast %get3A_228 : i32 to index
    %get3A_230 = memref.load %arg4[%get3A_229] : memref<64xf32, #tpu.memory_space<smem>>
    %gt3A_231 = arith.cmpf ogt, %get3A_230, %select_n3A_224 : f32
    %select_n3A_232 = arith.select %gt3A_231, %get3A_230, %select_n3A_224 : f32
    %jit3A_233 = arith.constant 34 : i32
    %select_n3A_234 = arith.select %gt3A_231, %jit3A_233, %select_n3A_227 : i32
    %get3A_235 = arith.constant 35 : i32
    %get3A_236 = arith.index_cast %get3A_235 : i32 to index
    %get3A_237 = memref.load %arg4[%get3A_236] : memref<64xf32, #tpu.memory_space<smem>>
    %gt3A_238 = arith.cmpf ogt, %get3A_237, %select_n3A_232 : f32
    %select_n3A_239 = arith.select %gt3A_238, %get3A_237, %select_n3A_232 : f32
    %jit3A_240 = arith.constant 35 : i32
    %select_n3A_241 = arith.select %gt3A_238, %jit3A_240, %select_n3A_234 : i32
    %get3A_242 = arith.constant 36 : i32
    %get3A_243 = arith.index_cast %get3A_242 : i32 to index
    %get3A_244 = memref.load %arg4[%get3A_243] : memref<64xf32, #tpu.memory_space<smem>>
    %gt3A_245 = arith.cmpf ogt, %get3A_244, %select_n3A_239 : f32
    %select_n3A_246 = arith.select %gt3A_245, %get3A_244, %select_n3A_239 : f32
    %jit3A_247 = arith.constant 36 : i32
    %select_n3A_248 = arith.select %gt3A_245, %jit3A_247, %select_n3A_241 : i32
    %get3A_249 = arith.constant 37 : i32
    %get3A_250 = arith.index_cast %get3A_249 : i32 to index
    %get3A_251 = memref.load %arg4[%get3A_250] : memref<64xf32, #tpu.memory_space<smem>>
    %gt3A_252 = arith.cmpf ogt, %get3A_251, %select_n3A_246 : f32
    %select_n3A_253 = arith.select %gt3A_252, %get3A_251, %select_n3A_246 : f32
    %jit3A_254 = arith.constant 37 : i32
    %select_n3A_255 = arith.select %gt3A_252, %jit3A_254, %select_n3A_248 : i32
    %get3A_256 = arith.constant 38 : i32
    %get3A_257 = arith.index_cast %get3A_256 : i32 to index
    %get3A_258 = memref.load %arg4[%get3A_257] : memref<64xf32, #tpu.memory_space<smem>>
    %gt3A_259 = arith.cmpf ogt, %get3A_258, %select_n3A_253 : f32
    %select_n3A_260 = arith.select %gt3A_259, %get3A_258, %select_n3A_253 : f32
    %jit3A_261 = arith.constant 38 : i32
    %select_n3A_262 = arith.select %gt3A_259, %jit3A_261, %select_n3A_255 : i32
    %get3A_263 = arith.constant 39 : i32
    %get3A_264 = arith.index_cast %get3A_263 : i32 to index
    %get3A_265 = memref.load %arg4[%get3A_264] : memref<64xf32, #tpu.memory_space<smem>>
    %gt3A_266 = arith.cmpf ogt, %get3A_265, %select_n3A_260 : f32
    %select_n3A_267 = arith.select %gt3A_266, %get3A_265, %select_n3A_260 : f32
    %jit3A_268 = arith.constant 39 : i32
    %select_n3A_269 = arith.select %gt3A_266, %jit3A_268, %select_n3A_262 : i32
    %get3A_270 = arith.constant 40 : i32
    %get3A_271 = arith.index_cast %get3A_270 : i32 to index
    %get3A_272 = memref.load %arg4[%get3A_271] : memref<64xf32, #tpu.memory_space<smem>>
    %gt3A_273 = arith.cmpf ogt, %get3A_272, %select_n3A_267 : f32
    %select_n3A_274 = arith.select %gt3A_273, %get3A_272, %select_n3A_267 : f32
    %jit3A_275 = arith.constant 40 : i32
    %select_n3A_276 = arith.select %gt3A_273, %jit3A_275, %select_n3A_269 : i32
    %get3A_277 = arith.constant 41 : i32
    %get3A_278 = arith.index_cast %get3A_277 : i32 to index
    %get3A_279 = memref.load %arg4[%get3A_278] : memref<64xf32, #tpu.memory_space<smem>>
    %gt3A_280 = arith.cmpf ogt, %get3A_279, %select_n3A_274 : f32
    %select_n3A_281 = arith.select %gt3A_280, %get3A_279, %select_n3A_274 : f32
    %jit3A_282 = arith.constant 41 : i32
    %select_n3A_283 = arith.select %gt3A_280, %jit3A_282, %select_n3A_276 : i32
    %get3A_284 = arith.constant 42 : i32
    %get3A_285 = arith.index_cast %get3A_284 : i32 to index
    %get3A_286 = memref.load %arg4[%get3A_285] : memref<64xf32, #tpu.memory_space<smem>>
    %gt3A_287 = arith.cmpf ogt, %get3A_286, %select_n3A_281 : f32
    %select_n3A_288 = arith.select %gt3A_287, %get3A_286, %select_n3A_281 : f32
    %jit3A_289 = arith.constant 42 : i32
    %select_n3A_290 = arith.select %gt3A_287, %jit3A_289, %select_n3A_283 : i32
    %get3A_291 = arith.constant 43 : i32
    %get3A_292 = arith.index_cast %get3A_291 : i32 to index
    %get3A_293 = memref.load %arg4[%get3A_292] : memref<64xf32, #tpu.memory_space<smem>>
    %gt3A_294 = arith.cmpf ogt, %get3A_293, %select_n3A_288 : f32
    %select_n3A_295 = arith.select %gt3A_294, %get3A_293, %select_n3A_288 : f32
    %jit3A_296 = arith.constant 43 : i32
    %select_n3A_297 = arith.select %gt3A_294, %jit3A_296, %select_n3A_290 : i32
    %get3A_298 = arith.constant 44 : i32
    %get3A_299 = arith.index_cast %get3A_298 : i32 to index
    %get3A_300 = memref.load %arg4[%get3A_299] : memref<64xf32, #tpu.memory_space<smem>>
    %gt3A_301 = arith.cmpf ogt, %get3A_300, %select_n3A_295 : f32
    %select_n3A_302 = arith.select %gt3A_301, %get3A_300, %select_n3A_295 : f32
    %jit3A_303 = arith.constant 44 : i32
    %select_n3A_304 = arith.select %gt3A_301, %jit3A_303, %select_n3A_297 : i32
    %get3A_305 = arith.constant 45 : i32
    %get3A_306 = arith.index_cast %get3A_305 : i32 to index
    %get3A_307 = memref.load %arg4[%get3A_306] : memref<64xf32, #tpu.memory_space<smem>>
    %gt3A_308 = arith.cmpf ogt, %get3A_307, %select_n3A_302 : f32
    %select_n3A_309 = arith.select %gt3A_308, %get3A_307, %select_n3A_302 : f32
    %jit3A_310 = arith.constant 45 : i32
    %select_n3A_311 = arith.select %gt3A_308, %jit3A_310, %select_n3A_304 : i32
    %get3A_312 = arith.constant 46 : i32
    %get3A_313 = arith.index_cast %get3A_312 : i32 to index
    %get3A_314 = memref.load %arg4[%get3A_313] : memref<64xf32, #tpu.memory_space<smem>>
    %gt3A_315 = arith.cmpf ogt, %get3A_314, %select_n3A_309 : f32
    %select_n3A_316 = arith.select %gt3A_315, %get3A_314, %select_n3A_309 : f32
    %jit3A_317 = arith.constant 46 : i32
    %select_n3A_318 = arith.select %gt3A_315, %jit3A_317, %select_n3A_311 : i32
    %get3A_319 = arith.constant 47 : i32
    %get3A_320 = arith.index_cast %get3A_319 : i32 to index
    %get3A_321 = memref.load %arg4[%get3A_320] : memref<64xf32, #tpu.memory_space<smem>>
    %gt3A_322 = arith.cmpf ogt, %get3A_321, %select_n3A_316 : f32
    %select_n3A_323 = arith.select %gt3A_322, %get3A_321, %select_n3A_316 : f32
    %jit3A_324 = arith.constant 47 : i32
    %select_n3A_325 = arith.select %gt3A_322, %jit3A_324, %select_n3A_318 : i32
    %get3A_326 = arith.constant 48 : i32
    %get3A_327 = arith.index_cast %get3A_326 : i32 to index
    %get3A_328 = memref.load %arg4[%get3A_327] : memref<64xf32, #tpu.memory_space<smem>>
    %get3A_329 = arith.constant 49 : i32
    %get3A_330 = arith.index_cast %get3A_329 : i32 to index
    %get3A_331 = memref.load %arg4[%get3A_330] : memref<64xf32, #tpu.memory_space<smem>>
    %gt3A_332 = arith.cmpf ogt, %get3A_331, %get3A_328 : f32
    %select_n3A_333 = arith.select %gt3A_332, %get3A_331, %get3A_328 : f32
    %jit3A_334 = arith.constant 49 : i32
    %jit3A_335 = arith.constant 48 : i32
    %select_n3A_336 = arith.select %gt3A_332, %jit3A_334, %jit3A_335 : i32
    %get3A_337 = arith.constant 50 : i32
    %get3A_338 = arith.index_cast %get3A_337 : i32 to index
    %get3A_339 = memref.load %arg4[%get3A_338] : memref<64xf32, #tpu.memory_space<smem>>
    %gt3A_340 = arith.cmpf ogt, %get3A_339, %select_n3A_333 : f32
    %select_n3A_341 = arith.select %gt3A_340, %get3A_339, %select_n3A_333 : f32
    %jit3A_342 = arith.constant 50 : i32
    %select_n3A_343 = arith.select %gt3A_340, %jit3A_342, %select_n3A_336 : i32
    %get3A_344 = arith.constant 51 : i32
    %get3A_345 = arith.index_cast %get3A_344 : i32 to index
    %get3A_346 = memref.load %arg4[%get3A_345] : memref<64xf32, #tpu.memory_space<smem>>
    %gt3A_347 = arith.cmpf ogt, %get3A_346, %select_n3A_341 : f32
    %select_n3A_348 = arith.select %gt3A_347, %get3A_346, %select_n3A_341 : f32
    %jit3A_349 = arith.constant 51 : i32
    %select_n3A_350 = arith.select %gt3A_347, %jit3A_349, %select_n3A_343 : i32
    %get3A_351 = arith.constant 52 : i32
    %get3A_352 = arith.index_cast %get3A_351 : i32 to index
    %get3A_353 = memref.load %arg4[%get3A_352] : memref<64xf32, #tpu.memory_space<smem>>
    %gt3A_354 = arith.cmpf ogt, %get3A_353, %select_n3A_348 : f32
    %select_n3A_355 = arith.select %gt3A_354, %get3A_353, %select_n3A_348 : f32
    %jit3A_356 = arith.constant 52 : i32
    %select_n3A_357 = arith.select %gt3A_354, %jit3A_356, %select_n3A_350 : i32
    %get3A_358 = arith.constant 53 : i32
    %get3A_359 = arith.index_cast %get3A_358 : i32 to index
    %get3A_360 = memref.load %arg4[%get3A_359] : memref<64xf32, #tpu.memory_space<smem>>
    %gt3A_361 = arith.cmpf ogt, %get3A_360, %select_n3A_355 : f32
    %select_n3A_362 = arith.select %gt3A_361, %get3A_360, %select_n3A_355 : f32
    %jit3A_363 = arith.constant 53 : i32
    %select_n3A_364 = arith.select %gt3A_361, %jit3A_363, %select_n3A_357 : i32
    %get3A_365 = arith.constant 54 : i32
    %get3A_366 = arith.index_cast %get3A_365 : i32 to index
    %get3A_367 = memref.load %arg4[%get3A_366] : memref<64xf32, #tpu.memory_space<smem>>
    %gt3A_368 = arith.cmpf ogt, %get3A_367, %select_n3A_362 : f32
    %select_n3A_369 = arith.select %gt3A_368, %get3A_367, %select_n3A_362 : f32
    %jit3A_370 = arith.constant 54 : i32
    %select_n3A_371 = arith.select %gt3A_368, %jit3A_370, %select_n3A_364 : i32
    %get3A_372 = arith.constant 55 : i32
    %get3A_373 = arith.index_cast %get3A_372 : i32 to index
    %get3A_374 = memref.load %arg4[%get3A_373] : memref<64xf32, #tpu.memory_space<smem>>
    %gt3A_375 = arith.cmpf ogt, %get3A_374, %select_n3A_369 : f32
    %select_n3A_376 = arith.select %gt3A_375, %get3A_374, %select_n3A_369 : f32
    %jit3A_377 = arith.constant 55 : i32
    %select_n3A_378 = arith.select %gt3A_375, %jit3A_377, %select_n3A_371 : i32
    %get3A_379 = arith.constant 56 : i32
    %get3A_380 = arith.index_cast %get3A_379 : i32 to index
    %get3A_381 = memref.load %arg4[%get3A_380] : memref<64xf32, #tpu.memory_space<smem>>
    %gt3A_382 = arith.cmpf ogt, %get3A_381, %select_n3A_376 : f32
    %select_n3A_383 = arith.select %gt3A_382, %get3A_381, %select_n3A_376 : f32
    %jit3A_384 = arith.constant 56 : i32
    %select_n3A_385 = arith.select %gt3A_382, %jit3A_384, %select_n3A_378 : i32
    %get3A_386 = arith.constant 57 : i32
    %get3A_387 = arith.index_cast %get3A_386 : i32 to index
    %get3A_388 = memref.load %arg4[%get3A_387] : memref<64xf32, #tpu.memory_space<smem>>
    %gt3A_389 = arith.cmpf ogt, %get3A_388, %select_n3A_383 : f32
    %select_n3A_390 = arith.select %gt3A_389, %get3A_388, %select_n3A_383 : f32
    %jit3A_391 = arith.constant 57 : i32
    %select_n3A_392 = arith.select %gt3A_389, %jit3A_391, %select_n3A_385 : i32
    %get3A_393 = arith.constant 58 : i32
    %get3A_394 = arith.index_cast %get3A_393 : i32 to index
    %get3A_395 = memref.load %arg4[%get3A_394] : memref<64xf32, #tpu.memory_space<smem>>
    %gt3A_396 = arith.cmpf ogt, %get3A_395, %select_n3A_390 : f32
    %select_n3A_397 = arith.select %gt3A_396, %get3A_395, %select_n3A_390 : f32
    %jit3A_398 = arith.constant 58 : i32
    %select_n3A_399 = arith.select %gt3A_396, %jit3A_398, %select_n3A_392 : i32
    %get3A_400 = arith.constant 59 : i32
    %get3A_401 = arith.index_cast %get3A_400 : i32 to index
    %get3A_402 = memref.load %arg4[%get3A_401] : memref<64xf32, #tpu.memory_space<smem>>
    %gt3A_403 = arith.cmpf ogt, %get3A_402, %select_n3A_397 : f32
    %select_n3A_404 = arith.select %gt3A_403, %get3A_402, %select_n3A_397 : f32
    %jit3A_405 = arith.constant 59 : i32
    %select_n3A_406 = arith.select %gt3A_403, %jit3A_405, %select_n3A_399 : i32
    %get3A_407 = arith.constant 60 : i32
    %get3A_408 = arith.index_cast %get3A_407 : i32 to index
    %get3A_409 = memref.load %arg4[%get3A_408] : memref<64xf32, #tpu.memory_space<smem>>
    %gt3A_410 = arith.cmpf ogt, %get3A_409, %select_n3A_404 : f32
    %select_n3A_411 = arith.select %gt3A_410, %get3A_409, %select_n3A_404 : f32
    %jit3A_412 = arith.constant 60 : i32
    %select_n3A_413 = arith.select %gt3A_410, %jit3A_412, %select_n3A_406 : i32
    %get3A_414 = arith.constant 61 : i32
    %get3A_415 = arith.index_cast %get3A_414 : i32 to index
    %get3A_416 = memref.load %arg4[%get3A_415] : memref<64xf32, #tpu.memory_space<smem>>
    %gt3A_417 = arith.cmpf ogt, %get3A_416, %select_n3A_411 : f32
    %select_n3A_418 = arith.select %gt3A_417, %get3A_416, %select_n3A_411 : f32
    %jit3A_419 = arith.constant 61 : i32
    %select_n3A_420 = arith.select %gt3A_417, %jit3A_419, %select_n3A_413 : i32
    %get3A_421 = arith.constant 62 : i32
    %get3A_422 = arith.index_cast %get3A_421 : i32 to index
    %get3A_423 = memref.load %arg4[%get3A_422] : memref<64xf32, #tpu.memory_space<smem>>
    %gt3A_424 = arith.cmpf ogt, %get3A_423, %select_n3A_418 : f32
    %select_n3A_425 = arith.select %gt3A_424, %get3A_423, %select_n3A_418 : f32
    %jit3A_426 = arith.constant 62 : i32
    %select_n3A_427 = arith.select %gt3A_424, %jit3A_426, %select_n3A_420 : i32
    %get3A_428 = arith.constant 63 : i32
    %get3A_429 = arith.index_cast %get3A_428 : i32 to index
    %get3A_430 = memref.load %arg4[%get3A_429] : memref<64xf32, #tpu.memory_space<smem>>
    %gt3A_431 = arith.cmpf ogt, %get3A_430, %select_n3A_425 : f32
    %select_n3A_432 = arith.select %gt3A_431, %get3A_430, %select_n3A_425 : f32
    %jit3A_433 = arith.constant 63 : i32
    %select_n3A_434 = arith.select %gt3A_431, %jit3A_433, %select_n3A_427 : i32
    %gt3A_435 = arith.cmpf ogt, %select_n3A_214, %select_n3A_105 : f32
    %select_n3A_436 = arith.select %gt3A_435, %select_n3A_214, %select_n3A_105 : f32
    %select_n3A_437 = arith.select %gt3A_435, %select_n3A_216, %select_n3A_107 : i32
    %gt3A_438 = arith.cmpf ogt, %select_n3A_323, %select_n3A_436 : f32
    %select_n3A_439 = arith.select %gt3A_438, %select_n3A_323, %select_n3A_436 : f32
    %select_n3A_440 = arith.select %gt3A_438, %select_n3A_325, %select_n3A_437 : i32
    %gt3A_441 = arith.cmpf ogt, %select_n3A_432, %select_n3A_439 : f32
    %select_n3A_442 = arith.select %gt3A_441, %select_n3A_432, %select_n3A_439 : f32
    %select_n3A_443 = arith.select %gt3A_441, %select_n3A_434, %select_n3A_440 : i32
    %swap3A_444 = arith.constant 0 : i32
    %swap3A_445 = arith.index_cast %swap3A_444 : i32 to index
    %swap3A_446 = memref.load %arg6[%swap3A_445] : memref<1xi32, #tpu.memory_space<smem>>
    memref.store %select_n3A_443, %arg6[%swap3A_445] : memref<1xi32, #tpu.memory_space<smem>>
    tpu.enqueue_dma source(%arg6 : memref<1xi32, #tpu.memory_space<smem>>) target(%arg3 : memref<1xi32, #tpu.memory_space<hbm>>) target_semaphore(%arg9 : memref<!tpu.dma_semaphore, #tpu.memory_space<semaphore_mem>>)
    tpu.wait_dma2 semaphore(%arg8 : memref<!tpu.dma_semaphore, #tpu.memory_space<semaphore_mem>>) src(%arg5 : memref<1xf32, #tpu.memory_space<smem>>) dst(%arg2 : memref<1xf32, #tpu.memory_space<hbm>>)
    tpu.wait_dma2 semaphore(%arg9 : memref<!tpu.dma_semaphore, #tpu.memory_space<semaphore_mem>>) src(%arg6 : memref<1xi32, #tpu.memory_space<smem>>) dst(%arg3 : memref<1xi32, #tpu.memory_space<hbm>>)
    return
  }
}

</mosaic_0001>

<sc_bundles>
// kernel: kernel.3.cloned.1.call-start
scs
__scs_entry_jumppad:
0x0: {  	(pc) =	sbr.rel $0x88, $3  }
0x1: {  	(tag) =	ssettag $0x0;
	lr =	simm.s32 $0x1  }
0x2: {  	[smem:$0x3FA0] =	sst lr;
	_ =	strace $0xD0000000  }
0x3: {  	_ = 	snop  }
0x4: {  	_ = 	snop  }
0x5: {  	_ = 	snop  }
0x6: {  	_ = 	snop  }
0x7: {  	_ = 	snop  }
__scs_overlays_trampoline_lowered:
0x8: {  	[smem:$0x3FAF] =	sst s0  }
0x9: {  	[smem:$0x3FB0] =	sst s1  }
0xa: {  	[smem:$0x3FB1] =	sst s2  }
0xb: {  	[smem:$0x3FB2] =	sst s3  }
0xc: {  	[smem:$0x3FB3] =	sst s4  }
0xd: {  	[smem:$0x3FB4] =	sst s5  }
0xe: {  	[smem:$0x3FB5] =	sst s6  }
0xf: {  	[smem:$0x3FB6] =	sst s7  }
0x10: {  	[smem:$0x3FB7] =	sst s8  }
0x11: {  	[smem:$0x3FB8] =	sst s9;
	s0 =	simm.s32 @!p0 $0x0  }
0x12: {  	s1 =	sld [smem:$0x3F9E];
	s0 =	simm.s32 @p0 $0x1  }
0x13: {  	[smem:$0x3FB9] =	sst s0;
	s0 =	simm.s32 @!p1 $0x0  }
0x14: {  	s2 =	sld [smem:$0x3F9D];
	s0 =	simm.s32 @p1 $0x1  }
0x15: {  	[smem:$0x3FBA] =	sst s0;
	s0 =	simm.s32 @!p2 $0x0  }
0x16: {  	s3 =	sld [smem:$0x3FDB];
	s0 =	simm.s32 @p2 $0x1  }
0x17: {  	s4 =	simm.s32 $0x1BF5;
	[smem:$0x3FBC] =	sst s0  }
0x18: {  	s0 =	sld [smem:$0x3F9F];
	_ =	swait.ge [sflag:s4], $0x0  }
0x19: {  	s7 =	sld [smem:$0x3FA0]  }
0x1a: {  	s8 =	sadd.s32 $0xFFFFE003, lr  }
0x1b: {  	s9 =	sadd.s32 $0xFFFFFEF7, lr;
	s5 =	simm.s32 $0xFFFFFFFF;
	p2 =	slt.u32 s8, $0xFFFFF086  }
0x1c: {  	p1 =	slt.u32 s9, $0xF7A;
	s5 =	simm.s32 @!p2 $0x0  }
0x1d: {  	s5 =	simm.s32 @p1 $0x1;
	p0 =	seq.s32 s7, s2  }
0x1e: {  	s7 =	smul.u32 @!p0 $0xF7A, s2;
	p2 =	seq.s32 @!p0 s5, $0x0  }
0x1f: {  	s9 =	smul.u32 $0xF7A, s1;
	s8 =	simm.s32 @!p0 $0x1BF5;
	p2 =	por !p2, p0  }
0x20: {  	[sflag:s8] =	ssyncset.s32 @!p0 $0xFFFFF086;
	s6 =	sadd.s32 @!p0 s3, s7;
	s7 =	simm.s32 @!p0 $0x108  }
0x21: {  	s3 =	sadd.s32 s3, s9;
	s6 =	sadd.s32 @!p0 $0x88, s6;
	s7 =	simm.s32 @p2 $0x1082  }
0x22: {  	[simem:s7], [sflag:s8] =	dma.local @!p0 [hbm:s6], $0xF7A  }
0x23: {  	s9 =	sor.u32 $0xD0000000, s2;
	s6 =	simm.s32 $0x108;
	_ =	swait.ge @!p0 [sflag:s8], $0x0  }
0x24: {  	s3 =	sadd.s32 $0x88, s3;
	s6 =	simm.s32 @!p1 $0x1082;
	[sflag:s4] =	ssyncset.s32 $0xFFFFF086  }
0x25: {  	[simem:s6], [sflag:s4] =	dma.local [hbm:s3], $0xF7A  }
0x26: {  	[smem:$0x3FA0] =	sst s1;
	(tag) =	ssettag s2;
	_ =	strace s9  }
0x27: {  	s1 =	sld [smem:$0x3FB0]  }
0x28: {  	s2 =	sld [smem:$0x3FB1]  }
0x29: {  	s4 =	sld [smem:$0x3FB3]  }
0x2a: {  	p0 =	seq.s32 s5, $0x0;
	s5 =	sld [smem:$0x3FB4]  }
0x2b: {  	s6 =	sld [smem:$0x3FB5]  }
0x2c: {  	s7 =	sld [smem:$0x3FB6]  }
0x2d: {  	s3 =	simm.s32 $0x108;
	s8 =	sld [smem:$0x3FB7]  }
0x2e: {  	s3 =	simm.s32 @!p0 $0x1082;
	s9 =	sld [smem:$0x3FB8]  }
0x2f: {  	lr =	sadd.s32 s0, s3;
	s0 =	sld [smem:$0x3FAF]  }
0x30: {  	s3 =	sld [smem:$0x3FB2]  }
0x31: {  	[smem:$0x3FBB] =	sst s10  }
0x32: {  	s10 =	sld [smem:$0x3FB9];
	_ =	sdelay $0x3  }
0x33: {  	p0 =	seq.s32 s10, $0x1;
	s10 =	sld [smem:$0x3FBB];
	_ =	sdelay $0x3  }
0x34: {  	[smem:$0x3FBB] =	sst s10  }
0x35: {  	s10 =	sld [smem:$0x3FBA];
	_ =	sdelay $0x3  }
0x36: {  	p1 =	seq.s32 s10, $0x1;
	s10 =	sld [smem:$0x3FBB];
	_ =	sdelay $0x3  }
0x37: {  	[smem:$0x3FBB] =	sst s10  }
0x38: {  	s10 =	sld [smem:$0x3FBC]  }
0x39: {  	_ = 	snop;
	(pc) =	sbr.ind lr, $3  }
0x3a: {  	_ = 	snop  }
0x3b: {  	_ = 	snop  }
0x3c: {  	p2 =	seq.s32 s10, $0x1;
	s10 =	sld [smem:$0x3FBB]  }
0x3d: {  	_ =	shalt  }
0x3e: {  	_ =	shalt  }
0x3f: {  	_ =	shalt  }
0x40: {  	_ =	shalt  }
0x41: {  	_ =	shalt  }
0x42: {  	_ =	shalt  }
0x43: {  	_ =	shalt  }
0x44: {  	_ =	shalt  }
0x45: {  	_ =	shalt  }
0x46: {  	_ =	shalt  }
0x47: {  	_ =	shalt  }
0x48: {  	_ =	shalt  }
0x49: {  	_ =	shalt  }
0x4a: {  	_ =	shalt  }
0x4b: {  	_ =	shalt  }
0x4c: {  	_ =	shalt  }
0x4d: {  	_ =	shalt  }
0x4e: {  	_ =	shalt  }
0x4f: {  	_ =	shalt  }
0x50: {  	_ =	shalt  }
0x51: {  	_ =	shalt  }
0x52: {  	_ =	shalt  }
0x53: {  	_ =	shalt  }
0x54: {  	_ =	shalt  }
0x55: {  	_ =	shalt  }
0x56: {  	_ =	shalt  }
0x57: {  	_ =	shalt  }
0x58: {  	_ =	shalt  }
0x59: {  	_ =	shalt  }
0x5a: {  	_ =	shalt  }
0x5b: {  	_ =	shalt  }
0x5c: {  	_ =	shalt  }
0x5d: {  	_ =	shalt  }
0x5e: {  	_ =	shalt  }
0x5f: {  	_ =	shalt  }
0x60: {  	_ =	shalt  }
0x61: {  	_ =	shalt  }
0x62: {  	_ =	shalt  }
0x63: {  	_ =	shalt  }
0x64: {  	_ =	shalt  }
0x65: {  	_ =	shalt  }
0x66: {  	_ =	shalt  }
0x67: {  	_ =	shalt  }
0x68: {  	_ =	shalt  }
0x69: {  	_ =	shalt  }
0x6a: {  	_ =	shalt  }
0x6b: {  	_ =	shalt  }
0x6c: {  	_ =	shalt  }
0x6d: {  	_ =	shalt  }
0x6e: {  	_ =	shalt  }
0x6f: {  	_ =	shalt  }
0x70: {  	_ =	shalt  }
0x71: {  	_ =	shalt  }
0x72: {  	_ =	shalt  }
0x73: {  	_ =	shalt  }
0x74: {  	_ =	shalt  }
0x75: {  	_ =	shalt  }
0x76: {  	_ =	shalt  }
0x77: {  	_ =	shalt  }
0x78: {  	_ =	shalt  }
0x79: {  	_ =	shalt  }
0x7a: {  	_ =	shalt  }
0x7b: {  	_ =	shalt  }
0x7c: {  	_ =	shalt  }
0x7d: {  	_ =	shalt  }
0x7e: {  	_ =	shalt  }
0x7f: {  	_ =	shalt  }
0x80: {  	_ =	shalt  }
0x81: {  	_ =	shalt  }
0x82: {  	_ =	shalt  }
0x83: {  	_ =	shalt  }
0x84: {  	_ =	shalt  }
0x85: {  	_ =	shalt  }
0x86: {  	_ =	shalt  }
0x87: {  	_ =	shalt  }
.Lfunc_end0:
.L_simem_size_0:
called_computation_lowered:
.L_overlay_start_0:
0x88: {  	s0 =	sld [smem:$0x3FD9]  }
0x89: {  	s1 =	sld [smem:$0x3FFE];
	_ =	sdelay $0x3  }
0x8a: {  	s0 =	sadd.s32 s1, s0  }
0x8b: {  	[smem:$0x3FC7] =	sst s0  }
0x8c: {  	_ = 	snop  }
0x8d: {  	s0 =	sld [smem:$0x3FD0];
	_ =	sdelay $0x2  }
0x8e: {  	s2 =	simm.s32 $0xC;
	s3 =	simm.s32 $0x190;
	s29 =	sld [smem:$0x3FC9]  }
0x8f: {  	[smem:s3], [sflag:s2] =	dma.local [hbm:s0], $0x1  }
0x90: {  	_ =	swait.eq [sflag:s2], $0x1  }
0x91: {  	[sflag:s2] =	ssyncset.done $0x0  }
0x92: {  	s30 =	sld [smem:$0x190];
	[sflag:s2] =	ssyncadd.s32 $0xFFFFFFFF  }
0x93: {  	s31 =	sld [smem:$0x191];
	(tm) =	ssettm $0x1  }
0x94: {  	s12 =	sld [smem:$0x3FFB];
	_ =	sdelay $0x3  }
0x95: {  	_ =	strace s12  }
0x96: {  	s2 =	sld [smem:$0x3FFC];
	_ =	sdelay $0x3  }
0x97: {  	_ =	strace s2  }
0x98: {  	s2 =	sld [smem:$0x3FFD];
	_ =	sdelay $0x3  }
0x99: {  	_ =	strace s2  }
0x9a: {  	s13 =	simm.s32 $0x1B8B;
	_ =	strace $0x8FFFFFFF  }
0x9b: {  	_ =	swait.ge [sflag:s13], $0x1  }
0x9c: {  	[sflag:s13] =	ssyncset.done $0x0  }
0x9d: {  	s14 =	simm.s32 $0x1B8E;
	[sflag:s13] =	ssyncadd.s32 $0xFFFFFFFF  }
0x9e: {  	s15 =	simm.s32 $0x9;
	[smem:$0x3FD2] =	sst s14  }
0x9f: {  	s4 =	simm.s32 $0x10;
	s16 =	simm.s32 $0x3F800000;
	_ =	strace $0x80000046  }
0xa0: {  	[smem:s4], [sflag:s15] =	dma.local [hbm:s29], $0x10  }
0xa1: {  	s17 =	simm.s32 $0x90;
	s18 =	simm.s32 $0xA;
	[smem:$0x90] =	sst s16  }
0xa2: {  	[hbm:s30], [sflag:s18] =	dma.local [smem:s17], $0x10  }
0xa3: {  	_ =	swait.ge [sflag:s15], $0x10  }
0xa4: {  	[sflag:s15] =	ssyncset.done $0x0  }
0xa5: {  	[sflag:s15] =	ssyncadd.s32 $0xFFFFFFF0  }
0xa6: {  	s2 =	sld [smem:$0x10]  }
0xa7: {  	s3 =	sld [smem:$0x11];
	_ =	sdelay $0x2  }
0xa8: {  	s4 =	sld [smem:$0x12]  }
0xa9: {  	p2 =	sgt.f32 s3, s2;
	_ =	sdelay $0x1  }
0xaa: {  	s2 =	smov.u32 @p2 s3;
	s3 =	sld [smem:$0x13]  }
0xab: {  	p3 =	sgt.f32 s4, s2;
	_ =	sdelay $0x1  }
0xac: {  	s2 =	smov.u32 @p3 s4;
	s4 =	sld [smem:$0x14]  }
0xad: {  	p5 =	sgt.f32 s3, s2;
	_ =	sdelay $0x1  }
0xae: {  	s2 =	smov.u32 @p5 s3;
	s3 =	sld [smem:$0x15]  }
0xaf: {  	p1 =	sgt.f32 s4, s2;
	_ =	sdelay $0x1  }
0xb0: {  	s2 =	smov.u32 @p1 s4;
	s4 =	sld [smem:$0x16]  }
0xb1: {  	p0 =	sgt.f32 s3, s2;
	_ =	sdelay $0x1  }
0xb2: {  	s5 =	sld [smem:$0x17];
	s2 =	smov.u32 @p0 s3  }
0xb3: {  	p4 =	sgt.f32 s4, s2  }
0xb4: {  	s3 =	simm.s32 $0x1  }
0xb5: {  	s6 =	sld [smem:$0x18];
	s3 =	simm.s32 @!p2 $0x0;
	s2 =	smov.u32 @p4 s4  }
0xb6: {  	s7 =	sld [smem:$0x21];
	s3 =	simm.s32 @p3 $0x2;
	p3 =	sgt.f32 s5, s2  }
0xb7: {  	s4 =	sld [smem:$0x20]  }
0xb8: {  	s2 =	smov.u32 @p3 s5;
	s5 =	sld [smem:$0x19]  }
0xb9: {  	p2 =	sgt.f32 s6, s2  }
0xba: {  	s3 =	simm.s32 @p5 $0x3  }
0xbb: {  	s3 =	simm.s32 @p1 $0x4;
	s2 =	smov.u32 @p2 s6  }
0xbc: {  	s3 =	simm.s32 @p0 $0x5;
	p1 =	sgt.f32 s7, s4;
	p0 =	sgt.f32 s5, s2  }
0xbd: {  	s8 =	sld [smem:$0x22]  }
0xbe: {  	s6 =	sld [smem:$0x1A];
	s2 =	smov.u32 @p0 s5;
	s5 =	simm.s32 @!p1 $0x0  }
0xbf: {  	s5 =	simm.s32 @p1 $0x1  }
0xc0: {  	[smem:$0x3F96] =	sst s5  }
0xc1: {  	s4 =	smov.u32 @p1 s7;
	s5 =	sld [smem:$0x23]  }
0xc2: {  	s3 =	simm.s32 @p4 $0x6;
	p4 =	sgt.f32 s6, s2;
	p1 =	sgt.f32 s8, s4  }
0xc3: {  	s3 =	simm.s32 @p3 $0x7;
	s7 =	sld [smem:$0x1B]  }
0xc4: {  	s2 =	smov.u32 @p4 s6;
	s4 =	smov.u32 @p1 s8;
	s6 =	sld [smem:$0x24]  }
0xc5: {  	s3 =	simm.s32 @p2 $0x8;
	p2 =	sgt.f32 s5, s4  }
0xc6: {  	s3 =	simm.s32 @p0 $0x9  }
0xc7: {  	p0 =	sgt.f32 s7, s2;
	s9 =	simm.s32 @!p2 $0x0;
	s4 =	smov.u32 @p2 s5  }
0xc8: {  	s5 =	sld [smem:$0x25];
	s9 =	simm.s32 @p2 $0x1;
	p2 =	sgt.f32 s6, s4  }
0xc9: {  	_ = 	snop  }
0xca: {  	s8 =	sld [smem:$0x1C];
	s2 =	smov.u32 @p0 s7;
	s7 =	simm.s32 @!p2 $0x0  }
0xcb: {  	s4 =	smov.u32 @p2 s6;
	s6 =	sld [smem:$0x26];
	s7 =	simm.s32 @p2 $0x1  }
0xcc: {  	p3 =	sgt.f32 s5, s4;
	[smem:$0x3F98] =	sst s7  }
0xcd: {  	s7 =	sld [smem:$0x1D]  }
0xce: {  	p5 =	sgt.f32 s8, s2;
	s4 =	smov.u32 @p3 s5;
	s5 =	sld [smem:$0x27]  }
0xcf: {  	s3 =	simm.s32 @p4 $0xA;
	s19 =	sld [smem:$0x3F96];
	p4 =	sgt.f32 s6, s4  }
0xd0: {  	s3 =	simm.s32 @p0 $0xB;
	s2 =	smov.u32 @p5 s8;
	s8 =	sld [smem:$0x1E]  }
0xd1: {  	p0 =	sgt.f32 s7, s2;
	s4 =	smov.u32 @p4 s6;
	s6 =	sld [smem:$0x28]  }
0xd2: {  	s3 =	simm.s32 @p5 $0xC;
	[smem:$0x3F97] =	sst s9;
	p6 =	sgt.f32 s5, s4  }
0xd3: {  	s9 =	sld [smem:$0x29];
	s2 =	smov.u32 @p0 s7;
	s3 =	simm.s32 @p0 $0xD  }
0xd4: {  	s7 =	sld [smem:$0x1F];
	s4 =	smov.u32 @p6 s5;
	p0 =	sgt.f32 s8, s2  }
0xd5: {  	s20 =	sld [smem:$0x3F97];
	s5 =	simm.s32 $0x11;
	p5 =	sgt.f32 s6, s4  }
0xd6: {  	s2 =	smov.u32 @p0 s8;
	s3 =	simm.s32 @p0 $0xE;
	p0 =	seq.s32 s19, $0x1  }
0xd7: {  	s21 =	sld [smem:$0x3F98];
	s5 =	simm.s32 @!p0 $0x10  }
0xd8: {  	s4 =	smov.u32 @p5 s6;
	s6 =	sld [smem:$0x2A];
	p0 =	sgt.f32 s7, s2  }
0xd9: {  	p2 =	seq.s32 s20, $0x1;
	s5 =	simm.s32 @p1 $0x12;
	p1 =	sgt.f32 s9, s4  }
0xda: {  	s5 =	simm.s32 @p2 $0x13;
	s2 =	smov.u32 @p0 s7  }
0xdb: {  	s7 =	sld [smem:$0x2B];
	p2 =	seq.s32 s21, $0x1;
	s4 =	smov.u32 @p1 s9  }
0xdc: {  	s8 =	sld [smem:$0x2C];
	s5 =	simm.s32 @p2 $0x14;
	p2 =	sgt.f32 s6, s4  }
0xdd: {  	s9 =	sld [smem:$0x31]  }
0xde: {  	s4 =	smov.u32 @p2 s6;
	s6 =	sld [smem:$0x30]  }
0xdf: {  	s5 =	simm.s32 @p3 $0x15;
	p3 =	sgt.f32 s7, s4;
	_ =	sdelay $0x1  }
0xe0: {  	s3 =	simm.s32 @p0 $0xF;
	s4 =	smov.u32 @p3 s7  }
0xe1: {  	s5 =	simm.s32 @p4 $0x16;
	p4 =	sgt.f32 s8, s4;
	p0 =	sgt.f32 s9, s6  }
0xe2: {  	s10 =	sld [smem:$0x32]  }
0xe3: {  	s7 =	sld [smem:$0x2D];
	s4 =	smov.u32 @p4 s8;
	s8 =	simm.s32 @!p0 $0x0  }
0xe4: {  	s8 =	simm.s32 @p0 $0x1  }
0xe5: {  	s5 =	simm.s32 @p6 $0x17;
	[smem:$0x3F99] =	sst s8  }
0xe6: {  	s5 =	simm.s32 @p5 $0x18;
	s6 =	smov.u32 @p0 s9;
	s8 =	sld [smem:$0x33]  }
0xe7: {  	s5 =	simm.s32 @p1 $0x19;
	p5 =	sgt.f32 s7, s4;
	p1 =	sgt.f32 s10, s6  }
0xe8: {  	s9 =	sld [smem:$0x2E]  }
0xe9: {  	s4 =	smov.u32 @p5 s7;
	s6 =	smov.u32 @p1 s10;
	s7 =	sld [smem:$0x34]  }
0xea: {  	s5 =	simm.s32 @p2 $0x1A;
	p2 =	sgt.f32 s8, s6  }
0xeb: {  	s10 =	sld [smem:$0x2F]  }
0xec: {  	p6 =	sgt.f32 s9, s4;
	s6 =	smov.u32 @p2 s8;
	s8 =	sld [smem:$0x35]  }
0xed: {  	s5 =	simm.s32 @p3 $0x1B;
	s22 =	sld [smem:$0x3F99];
	p3 =	sgt.f32 s7, s6  }
0xee: {  	s4 =	smov.u32 @p6 s9  }
0xef: {  	s9 =	sld [smem:$0x36];
	p0 =	sgt.f32 s10, s4;
	s6 =	smov.u32 @p3 s7  }
0xf0: {  	s5 =	simm.s32 @p4 $0x1C;
	p4 =	sgt.f32 s8, s6  }
0xf1: {  	s5 =	simm.s32 @p5 $0x1D;
	p5 =	seq.s32 s22, $0x1;
	s4 =	smov.u32 @p0 s10  }
0xf2: {  	s10 =	sld [smem:$0x37];
	s7 =	simm.s32 $0x21;
	s6 =	smov.u32 @p4 s8  }
0xf3: {  	s11 =	sld [smem:$0x41];
	s7 =	simm.s32 @!p5 $0x20;
	p5 =	sgt.f32 s9, s6  }
0xf4: {  	s5 =	simm.s32 @p6 $0x1E;
	s7 =	simm.s32 @p1 $0x22;
	s8 =	sld [smem:$0x40]  }
0xf5: {  	s7 =	simm.s32 @p2 $0x23;
	s6 =	smov.u32 @p5 s9;
	s9 =	sld [smem:$0x38]  }
0xf6: {  	s5 =	simm.s32 @p0 $0x1F;
	s7 =	simm.s32 @p3 $0x24;
	p0 =	sgt.f32 s10, s6  }
0xf7: {  	s12 =	sld [smem:$0x42];
	s7 =	simm.s32 @p4 $0x25  }
0xf8: {  	p4 =	sgt.f32 s11, s8;
	s6 =	smov.u32 @p0 s10;
	s10 =	sld [smem:$0x39]  }
0xf9: {  	p1 =	sgt.f32 s9, s6  }
0xfa: {  	s8 =	smov.u32 @p4 s11;
	s11 =	sld [smem:$0x3A]  }
0xfb: {  	s6 =	smov.u32 @p1 s9;
	s9 =	sld [smem:$0x43]  }
0xfc: {  	s7 =	simm.s32 @p5 $0x26;
	p2 =	sgt.f32 s12, s8;
	p5 =	sgt.f32 s10, s6  }
0xfd: {  	_ = 	snop  }
0xfe: {  	s8 =	smov.u32 @p2 s12;
	s6 =	smov.u32 @p5 s10;
	s10 =	sld [smem:$0x44]  }
0xff: {  	s7 =	simm.s32 @p0 $0x27;
	s12 =	sld [smem:$0x3B];
	p3 =	sgt.f32 s9, s8  }
0x100: {  	s7 =	simm.s32 @p1 $0x28;
	p1 =	sgt.f32 s11, s6  }
0x101: {  	s13 =	sld [smem:$0x45];
	s8 =	smov.u32 @p3 s9  }
0x102: {  	s6 =	smov.u32 @p1 s11;
	s11 =	sld [smem:$0x3C];
	p6 =	sgt.f32 s10, s8  }
0x103: {  	s7 =	simm.s32 @p5 $0x29;
	p5 =	sgt.f32 s12, s6  }
0x104: {  	s7 =	simm.s32 @p1 $0x2A;
	s8 =	smov.u32 @p6 s10;
	s10 =	sld [smem:$0x46]  }
0x105: {  	s9 =	simm.s32 @!p5 $0x0;
	s6 =	smov.u32 @p5 s12;
	p0 =	sgt.f32 s13, s8  }
0x106: {  	s12 =	sld [smem:$0x47];
	s9 =	simm.s32 @p5 $0x1;
	p1 =	sgt.f32 s11, s6  }
0x107: {  	[smem:$0x3F9A] =	sst s9;
	s9 =	simm.s32 $0x31;
	s8 =	smov.u32 @p0 s13  }
0x108: {  	s9 =	simm.s32 @!p4 $0x30;
	p4 =	sgt.f32 s10, s8  }
0x109: {  	s13 =	simm.s32 @!p1 $0x0  }
0x10a: {  	s6 =	smov.u32 @p1 s11;
	s8 =	smov.u32 @p4 s10;
	s10 =	sld [smem:$0x48]  }
0x10b: {  	s11 =	sld [smem:$0x49];
	s13 =	simm.s32 @p1 $0x1;
	p5 =	sgt.f32 s12, s8  }
0x10c: {  	s9 =	simm.s32 @p2 $0x32;
	[smem:$0x3F9B] =	sst s13  }
0x10d: {  	s13 =	sld [smem:$0x3D];
	s9 =	simm.s32 @p3 $0x33;
	s8 =	smov.u32 @p5 s12  }
0x10e: {  	s9 =	simm.s32 @p6 $0x34;
	p6 =	sgt.f32 s10, s8  }
0x10f: {  	s14 =	sld [smem:$0x3F9A]  }
0x110: {  	s8 =	smov.u32 @p6 s10;
	s10 =	sld [smem:$0x4A]  }
0x111: {  	p2 =	sgt.f32 s13, s6;
	p1 =	sgt.f32 s11, s8  }
0x112: {  	s23 =	sld [smem:$0x3F9B]  }
0x113: {  	s12 =	simm.s32 @!p2 $0x0;
	s8 =	smov.u32 @p1 s11;
	s11 =	sld [smem:$0x4B]  }
0x114: {  	s9 =	simm.s32 @p0 $0x35;
	s12 =	simm.s32 @p2 $0x1;
	p0 =	sgt.f32 s10, s8  }
0x115: {  	s9 =	simm.s32 @p4 $0x36;
	[smem:$0x3F9C] =	sst s12  }
0x116: {  	s9 =	simm.s32 @p5 $0x37;
	s8 =	smov.u32 @p0 s10;
	s10 =	sld [smem:$0x4C]  }
0x117: {  	s6 =	smov.u32 @p2 s13;
	s12 =	sld [smem:$0x3E];
	p5 =	sgt.f32 s11, s8  }
0x118: {  	p2 =	seq.s32 s14, $0x1;
	s9 =	simm.s32 @p6 $0x38;
	s24 =	sld [smem:$0x3F9C]  }
0x119: {  	p6 =	seq.s32 s23, $0x1;
	s8 =	smov.u32 @p5 s11;
	s11 =	sld [smem:$0x4D]  }
0x11a: {  	s7 =	simm.s32 @p2 $0x2B;
	s9 =	simm.s32 @p1 $0x39;
	p1 =	sgt.f32 s10, s8  }
0x11b: {  	s13 =	sld [smem:$0x3F];
	s7 =	simm.s32 @p6 $0x2C  }
0x11c: {  	p3 =	sgt.f32 s12, s6;
	s8 =	smov.u32 @p1 s10;
	s10 =	sld [smem:$0x4E]  }
0x11d: {  	s9 =	simm.s32 @p0 $0x3A;
	p2 =	seq.s32 s24, $0x1;
	p0 =	sgt.f32 s11, s8  }
0x11e: {  	s6 =	smov.u32 @p3 s12;
	s7 =	simm.s32 @p2 $0x2D;
	p2 =	sgt.f32 s4, s2  }
0x11f: {  	s9 =	simm.s32 @p5 $0x3B;
	s8 =	smov.u32 @p0 s11;
	s11 =	sld [smem:$0x4F]  }
0x120: {  	p4 =	sgt.f32 s13, s6;
	s9 =	simm.s32 @p1 $0x3C;
	p1 =	sgt.f32 s10, s8  }
0x121: {  	s7 =	simm.s32 @p3 $0x2E  }
0x122: {  	s2 =	smov.u32 @p2 s4;
	s6 =	smov.u32 @p4 s13;
	s8 =	smov.u32 @p1 s10  }
0x123: {  	p3 =	sgt.f32 s6, s2;
	s9 =	simm.s32 @p0 $0x3D;
	p0 =	sgt.f32 s11, s8  }
0x124: {  	_ = 	snop  }
0x125: {  	s3 =	smov.u32 @p2 s5;
	s2 =	smov.u32 @p3 s6;
	s8 =	smov.u32 @p0 s11  }
0x126: {  	s7 =	simm.s32 @p4 $0x2F;
	s9 =	simm.s32 @p1 $0x3E;
	p1 =	sgt.f32 s8, s2  }
0x127: {  	s3 =	smov.u32 @p3 s7;
	s9 =	simm.s32 @p0 $0x3F  }
0x128: {  	s3 =	smov.u32 @p1 s9  }
0x129: {  	s25 =	simm.s32 $0x110;
	s26 =	simm.s32 $0xB;
	[smem:$0x110] =	sst s3  }
0x12a: {  	[hbm:s31], [sflag:s26] =	dma.local [smem:s25], $0x10  }
0x12b: {  	_ =	swait.ge [sflag:s18], $0x10  }
0x12c: {  	[sflag:s18] =	ssyncset.done $0x0  }
0x12d: {  	[sflag:s18] =	ssyncadd.s32 $0xFFFFFFF0;
	_ =	sdelay $0x2  }
0x12e: {  	_ =	swait.ge [sflag:s26], $0x10  }
0x12f: {  	[sflag:s26] =	ssyncset.done $0x0  }
0x130: {  	[sflag:s26] =	ssyncadd.s32 $0xFFFFFFF0  }
0x131: {  	_ =	strace $0x90000046  }
0x132: {  	_ =	sfence  }
0x133: {  	s28 =	sld [smem:$0x0];
	_ =	sdelay $0x1  }
0x134: {  	s29 =	srdreg.scid  }
0x135: {  	s30 =	sshll.u32 s29, $0xD;
	s31 =	sshrl.u32 s29, $0x2  }
0x136: {  	s1 =	sand.u32 $0x1, s29;
	s2 =	sand.u32 $0x4000, s30;
	s0 =	sadd.s32 s31, s28  }
0x137: {  	s1 =	sor.u32 s2, s1;
	s0 =	sshll.u32 s0, $0x11  }
0x138: {  	s0 =	sor.u32 s0, s1  }
0x139: {  	s0 =	sadd.s32 $0x8F2B, s0;
	(pc) =	sbr.abs _section_cstart, $3  }
0x13a: {  	[sflag:s0] =	ssyncadd.remote.s32 $0x1  }
0x13b: {  	_ =	strace $0x9FFFFFFF  }
0x13c: {  	(tm) =	ssettm $0x7FFFFFFF  }
0x13d: {  	_ =	shalt  }

</sc_bundles>
